<compile_context>
chip_gen: v7x
topology: tpu7x:2x2x1
jax: 0.10.2.dev20260603
libtpu: 0.0.44.dev20260713+nightly
codegen_flags: <defaults>
</compile_context>

<pallas_src>
import jax
import jax.numpy as jnp
from jax import lax
from jax.experimental import pallas as pl
from jax.experimental.pallas import tpu as pltpu
from jax.experimental.pallas import tpu_sc as plsc

B = 8
N = 2048
SEGS = 2
SEG = N // SEGS
V_PAD = 1024
L = 16
CHUNKS = SEG // L


def _body(x_hbm, out_hbm, xv, ov, hist, nb0, spm, sem):
    s = lax.axis_index("s")
    row = s // SEGS
    seg = s % SEGS
    base = row * N + seg * SEG

    in_cp = pltpu.async_copy(x_hbm.at[pl.ds(base, SEG)], xv, sem)

    def zero(i, _):
        hist[pl.ds(i * L, L)] = jnp.zeros((L,), jnp.float32)
        return 0

    lax.fori_loop(0, V_PAD // L, zero, 0)
    in_cp.wait()

    def chunk(i, _):
        v = xv[pl.ds(i * L, L)]
        prev = plsc.load_gather(hist, [v])
        rank, last = plsc.scan_count(v)
        cnt = prev + rank.astype(jnp.float32)
        ov[pl.ds(i * L, L)] = cnt
        plsc.store_scatter(hist, [v], cnt, mask=last)
        return 0

    lax.fori_loop(0, CHUNKS, chunk, 0)

    pltpu.sync_copy(hist, spm.at[s])
    plsc.subcore_barrier()

    @pl.when(seg > 0)
    def _():
        pltpu.sync_copy(spm.at[s - 1], nb0)

        def off(i, _):
            d = pl.ds(i * L, L)
            ov[d] = ov[d] + plsc.load_gather(nb0, [xv[d]])
            return 0

        lax.fori_loop(0, CHUNKS, off, 0)

    pltpu.sync_copy(ov, out_hbm.at[pl.ds(base, SEG)])


@jax.jit
def _counts(x):
    run = pl.kernel(
        _body,
        out_type=jax.ShapeDtypeStruct((B * N,), jnp.float32),
        mesh=plsc.VectorSubcoreMesh(
            core_axis_name="c", subcore_axis_name="s", num_cores=1
        ),
        scratch_types=[
            pltpu.VMEM((SEG,), jnp.int32),
            pltpu.VMEM((SEG,), jnp.float32),
            pltpu.VMEM((V_PAD,), jnp.float32),
            pltpu.VMEM((V_PAD,), jnp.float32),
            pltpu.VMEM_SHARED((16, V_PAD), jnp.float32),
            pltpu.SemaphoreType.DMA,
        ],
        compiler_params=pltpu.CompilerParams(
            needs_layout_passes=False, use_tc_tiling_on_sc=False
        ),
    )
    return run(x.astype(jnp.int32).reshape(B * N))


def kernel(x):
    return _counts(x).reshape(B, N, 1)

# --- scband reference (transcript-rebuilt; emitter-appended) ---
"""Pipeline reference for scband-prefix-sum-counts-15229954031724 (READ-ONLY COPY).

The authoritative reference and input builder live on the scoring server;
editing this copy changes nothing except your own understanding.
"""

import jax, jax.numpy as jnp
import numpy as np

D_VOCAB = 1000

def setup_inputs(seed: int = 0) -> dict:
    key = jax.random.key(seed)
    x = jax.random.randint(key, (8, 2048), 0, D_VOCAB, dtype=jnp.int64 if jax.config.jax_enable_x64 else jnp.int32)
    return {"x": x}

def reference(x):
    x_long = x.astype(jnp.int32)
    one_hot = jax.nn.one_hot(x_long, D_VOCAB, dtype=jnp.float32)
    cumsum = jnp.cumsum(one_hot, axis=1)
    idx = x_long[..., None]
    counts = jnp.take_along_axis(cumsum, idx, axis=2).astype(jnp.float32)
    return counts

if __name__ == "__main__":
    import jax
    _d = setup_inputs()
    print(jax.jit(kernel)(*tuple(_d.values())))

</pallas_src>

<mosaic_0001>
#map = affine_map<(d0, d1) -> (0)>
module attributes {stable_mosaic.version = 14 : i64} {
  func.func @_body(%arg0: i32, %arg1: i32, %arg2: memref<16384xi32, #tpu.memory_space<hbm>>, %arg3: memref<16384xf32, #tpu.memory_space<hbm>>, %arg4: memref<1024xi32, #tpu.memory_space<vmem>>, %arg5: memref<1024xf32, #tpu.memory_space<vmem>>, %arg6: memref<1024xf32, #tpu.memory_space<vmem>>, %arg7: memref<1024xf32, #tpu.memory_space<vmem>>, %arg8: memref<16x1024xf32, #tpu.memory_space<vmem_shared>>, %arg9: memref<!tpu.dma_semaphore, #tpu.memory_space<semaphore_mem>>) attributes {dimension_semantics = [#tpu.dimension_semantics<core_parallel>, #tpu.dimension_semantics<subcore_parallel>], iteration_bounds = array<i64: 1, 16>, scalar_prefetch = 0 : i64, scratch_operands = 6 : i64, tpu.core_type = #tpu.core_type<sc_vector_subcore>, window_params = [{transform_indices = #map}, {transform_indices = #map}]} {
    %jit3A = arith.constant 2 : i32
    %div3A = arith.divsi %arg1, %jit3A : i32
    %sign3A = arith.constant 0 : i32
    %sign3A_0 = arith.cmpi sgt, %arg1, %sign3A : i32
    %sign3A_1 = arith.extui %sign3A_0 : i1 to i32
    %sign3A_2 = arith.constant 0 : i32
    %sign3A_3 = arith.cmpi slt, %arg1, %sign3A_2 : i32
    %sign3A_4 = arith.extui %sign3A_3 : i1 to i32
    %sign3A_5 = arith.subi %sign3A_1, %sign3A_4 : i32
    %sign3A_6 = arith.constant 0 : i32
    %sign3A_7 = arith.cmpi sgt, %jit3A, %sign3A_6 : i32
    %sign3A_8 = arith.extui %sign3A_7 : i1 to i32
    %sign3A_9 = arith.constant 0 : i32
    %sign3A_10 = arith.cmpi slt, %jit3A, %sign3A_9 : i32
    %sign3A_11 = arith.extui %sign3A_10 : i1 to i32
    %sign3A_12 = arith.subi %sign3A_8, %sign3A_11 : i32
    %ne3A = arith.cmpi ne, %sign3A_5, %sign3A_12 : i32
    %rem3A = arith.remsi %arg1, %jit3A : i32
    %ne3A_13 = arith.constant 0 : i32
    %ne3A_14 = arith.cmpi ne, %rem3A, %ne3A_13 : i32
    %and3A = arith.andi %ne3A, %ne3A_14 : i1
    %sub3A = arith.constant 1 : i32
    %sub3A_15 = arith.subi %div3A, %sub3A : i32
    %select_n3A = arith.select %and3A, %sub3A_15, %div3A : i32
    %jit3A_16 = arith.constant 2 : i32
    %eq3A = arith.constant 0 : i32
    %eq3A_17 = arith.cmpi eq, %jit3A_16, %eq3A : i32
    %jit3A_18 = arith.constant 1 : i32
    %select_n3A_19 = arith.select %eq3A_17, %jit3A_18, %jit3A_16 : i32
    %rem3A_20 = arith.remsi %arg1, %select_n3A_19 : i32
    %ne3A_21 = arith.constant 0 : i32
    %ne3A_22 = arith.cmpi ne, %rem3A_20, %ne3A_21 : i32
    %lt3A = arith.constant 0 : i32
    %lt3A_23 = arith.cmpi slt, %rem3A_20, %lt3A : i32
    %lt3A_24 = arith.constant 0 : i32
    %lt3A_25 = arith.cmpi slt, %select_n3A_19, %lt3A_24 : i32
    %ne3A_26 = arith.xori %lt3A_23, %lt3A_25 : i1
    %and3A_27 = arith.andi %ne3A_26, %ne3A_22 : i1
    %add3A = arith.addi %rem3A_20, %select_n3A_19 : i32
    %select_n3A_28 = arith.select %and3A_27, %add3A, %rem3A_20 : i32
    %mul3A = arith.constant 2048 : i32
    %mul3A_29 = arith.muli %select_n3A, %mul3A : i32
    %mul3A_30 = arith.constant 1024 : i32
    %mul3A_31 = arith.muli %select_n3A_28, %mul3A_30 : i32
    %add3A_32 = arith.addi %mul3A_29, %mul3A_31 : i32
    %dma_start3A = tpu.memref_slice %arg2[%add3A_32] : memref<16384xi32, #tpu.memory_space<hbm>> -> memref<1024xi32, #tpu.memory_space<hbm>>
    %dma_start3A_33 = tpu.memref_slice %arg2[%add3A_32] : memref<16384xi32, #tpu.memory_space<hbm>> -> memref<1024xi32, #tpu.memory_space<hbm>>
    tpu.enqueue_dma source(%dma_start3A_33 : memref<1024xi32, #tpu.memory_space<hbm>>) target(%arg4 : memref<1024xi32, #tpu.memory_space<vmem>>) target_semaphore(%arg9 : memref<!tpu.dma_semaphore, #tpu.memory_space<semaphore_mem>>)
    %scan3A = arith.constant 0 : i32
    %scan3A_34 = arith.constant 0 : i32
    %scan3A_35 = arith.constant 64 : i32
    %scan3A_36 = arith.addi %scan3A_34, %scan3A_35 : i32
    %scan3A_37 = arith.constant 1 : i32
    %scan3A_38 = scf.for %scan3A_50 = %scan3A_34 to %scan3A_36 step %scan3A_37 iter_args(%scan3A_51 = %scan3A) -> (i32)  : i32 {
      %broadcast_in_dim3A = arith.constant 0.000000e+00 : f32
      %broadcast_in_dim3A_52 = vector.broadcast %broadcast_in_dim3A : f32 to vector<16xf32>
      %mul3A_53 = arith.constant 16 : i32
      %mul3A_54 = arith.muli %scan3A_50, %mul3A_53 : i32
      %swap3A = arith.index_cast %mul3A_54 : i32 to index
      %swap3A_55 = tpu.vector_load %arg6[%swap3A] {strides = array<i32>} : memref<1024xf32, #tpu.memory_space<vmem>>, vector<16xf32>,
      tpu.vector_store %arg6[%swap3A], %broadcast_in_dim3A_52 {strides = array<i32>} : memref<1024xf32, #tpu.memory_space<vmem>>, vector<16xf32>,
      %scan3A_56 = arith.constant 0 : i32
      scf.yield %scan3A_56 : i32
    }
    %scan3A_39 = arith.constant 64 : i32
    %dma_wait3A = tpu.memref_slice %arg2[%add3A_32] : memref<16384xi32, #tpu.memory_space<hbm>> -> memref<1024xi32, #tpu.memory_space<hbm>>
    %dma_wait3A_40 = tpu.memref_slice %arg2[%add3A_32] : memref<16384xi32, #tpu.memory_space<hbm>> -> memref<1024xi32, #tpu.memory_space<hbm>>
    tpu.wait_dma2 semaphore(%arg9 : memref<!tpu.dma_semaphore, #tpu.memory_space<semaphore_mem>>) src(%dma_wait3A_40 : memref<1024xi32, #tpu.memory_space<hbm>>) dst(%arg4 : memref<1024xi32, #tpu.memory_space<vmem>>)
    %scan3A_41 = arith.constant 0 : i32
    %scan3A_42 = arith.constant 0 : i32
    %scan3A_43 = arith.constant 64 : i32
    %scan3A_44 = arith.addi %scan3A_42, %scan3A_43 : i32
    %scan3A_45 = arith.constant 1 : i32
    %scan3A_46 = scf.for %scan3A_50 = %scan3A_42 to %scan3A_44 step %scan3A_45 iter_args(%scan3A_51 = %scan3A_41) -> (i32)  : i32 {
      %mul3A_52 = arith.constant 16 : i32
      %mul3A_53 = arith.muli %scan3A_50, %mul3A_52 : i32
      %get3A = arith.index_cast %mul3A_53 : i32 to index
      %get3A_54 = tpu.vector_load %arg4[%get3A] {strides = array<i32>} : memref<1024xi32, #tpu.memory_space<vmem>>, vector<16xi32>,
      %gather3A = tpu.vector_load_idx %arg6[%get3A_54] : memref<1024xf32, #tpu.memory_space<vmem>>[vector<16xi32>], vector<16xf32>,
      %broadcast_in_dim3A = arith.constant true
      %broadcast_in_dim3A_55 = vector.broadcast %broadcast_in_dim3A : i1 to vector<16xi1>
      %unique3A, %unique3A_56 = tpu.scan_count mask(%broadcast_in_dim3A_55 : vector<16xi1>) value(%get3A_54 : vector<16xi32>) : vector<16xi1>, vector<16xi32>
      %convert_element_type3A_57 = arith.sitofp %unique3A_56 : vector<16xi32> to vector<16xf32>
      %add3A_58 = arith.addf %gather3A, %convert_element_type3A_57 : vector<16xf32>
      %mul3A_59 = arith.constant 16 : i32
      %mul3A_60 = arith.muli %scan3A_50, %mul3A_59 : i32
      %swap3A = arith.index_cast %mul3A_60 : i32 to index
      %swap3A_61 = tpu.vector_load %arg5[%swap3A] {strides = array<i32>} : memref<1024xf32, #tpu.memory_space<vmem>>, vector<16xf32>,
      tpu.vector_store %arg5[%swap3A], %add3A_58 {strides = array<i32>} : memref<1024xf32, #tpu.memory_space<vmem>>, vector<16xf32>,
      tpu.vector_store_idx %arg6[%get3A_54], %add3A_58 masked %unique3A : memref<1024xf32, #tpu.memory_space<vmem>>[vector<16xi32>], vector<16xf32>, vector<16xi1>
      %scan3A_62 = arith.constant 0 : i32
      scf.yield %scan3A_62 : i32
    }
    %scan3A_47 = arith.constant 64 : i32
    "tpu.region"() ({
      %run_scoped3A = tpu.sem_alloc : memref<!tpu.dma_semaphore, #tpu.memory_space<semaphore_mem>>
      %dma_start3A_50 = arith.constant 0 : i32
      %dma_start3A_51 = tpu.memref_slice %arg8[%arg1, %dma_start3A_50] : memref<16x1024xf32, #tpu.memory_space<vmem_shared>> -> memref<1x1024xf32, #tpu.memory_space<vmem_shared>>
      %dma_start3A_52 = tpu.memref_squeeze %dma_start3A_51 : memref<1x1024xf32, #tpu.memory_space<vmem_shared>> -> memref<1024xf32, #tpu.memory_space<vmem_shared>>
      %dma_start3A_53 = arith.constant 0 : i32
      %dma_start3A_54 = tpu.memref_slice %arg8[%arg1, %dma_start3A_53] : memref<16x1024xf32, #tpu.memory_space<vmem_shared>> -> memref<1x1024xf32, #tpu.memory_space<vmem_shared>>
      %dma_start3A_55 = tpu.memref_squeeze %dma_start3A_54 : memref<1x1024xf32, #tpu.memory_space<vmem_shared>> -> memref<1024xf32, #tpu.memory_space<vmem_shared>>
      tpu.enqueue_dma source(%arg6 : memref<1024xf32, #tpu.memory_space<vmem>>) target(%dma_start3A_55 : memref<1024xf32, #tpu.memory_space<vmem_shared>>) target_semaphore(%run_scoped3A : memref<!tpu.dma_semaphore, #tpu.memory_space<semaphore_mem>>)
      %dma_wait3A_56 = arith.constant 0 : i32
      %dma_wait3A_57 = tpu.memref_slice %arg8[%arg1, %dma_wait3A_56] : memref<16x1024xf32, #tpu.memory_space<vmem_shared>> -> memref<1x1024xf32, #tpu.memory_space<vmem_shared>>
      %dma_wait3A_58 = tpu.memref_squeeze %dma_wait3A_57 : memref<1x1024xf32, #tpu.memory_space<vmem_shared>> -> memref<1024xf32, #tpu.memory_space<vmem_shared>>
      %dma_wait3A_59 = arith.constant 0 : i32
      %dma_wait3A_60 = tpu.memref_slice %arg8[%arg1, %dma_wait3A_59] : memref<16x1024xf32, #tpu.memory_space<vmem_shared>> -> memref<1x1024xf32, #tpu.memory_space<vmem_shared>>
      %dma_wait3A_61 = tpu.memref_squeeze %dma_wait3A_60 : memref<1x1024xf32, #tpu.memory_space<vmem_shared>> -> memref<1024xf32, #tpu.memory_space<vmem_shared>>
      tpu.wait_dma2 semaphore(%run_scoped3A : memref<!tpu.dma_semaphore, #tpu.memory_space<semaphore_mem>>) src(%arg6 : memref<1024xf32, #tpu.memory_space<vmem>>) dst(%dma_wait3A_61 : memref<1024xf32, #tpu.memory_space<vmem_shared>>)
      tpu.yield
    }) : () -> ()
    %barrier3A = arith.constant 0 : index
    tpu.barrier barrier_id(%barrier3A)
    %gt3A = arith.constant 0 : i32
    %gt3A_48 = arith.cmpi sgt, %select_n3A_28, %gt3A : i32
    %convert_element_type3A = arith.extui %gt3A_48 : i1 to i32
    %cond3A = arith.constant 0 : i32
    %cond3A_49 = arith.cmpi ne, %convert_element_type3A, %cond3A : i32
    scf.if %cond3A_49 {
      %sub3A_50 = arith.constant 1 : i32
      %sub3A_51 = arith.subi %arg1, %sub3A_50 : i32
      "tpu.region"() ({
        %run_scoped3A = tpu.sem_alloc : memref<!tpu.dma_semaphore, #tpu.memory_space<semaphore_mem>>
        %dma_start3A_59 = arith.constant 0 : i32
        %dma_start3A_60 = tpu.memref_slice %arg8[%sub3A_51, %dma_start3A_59] : memref<16x1024xf32, #tpu.memory_space<vmem_shared>> -> memref<1x1024xf32, #tpu.memory_space<vmem_shared>>
        %dma_start3A_61 = tpu.memref_squeeze %dma_start3A_60 : memref<1x1024xf32, #tpu.memory_space<vmem_shared>> -> memref<1024xf32, #tpu.memory_space<vmem_shared>>
        %dma_start3A_62 = arith.constant 0 : i32
        %dma_start3A_63 = tpu.memref_slice %arg8[%sub3A_51, %dma_start3A_62] : memref<16x1024xf32, #tpu.memory_space<vmem_shared>> -> memref<1x1024xf32, #tpu.memory_space<vmem_shared>>
        %dma_start3A_64 = tpu.memref_squeeze %dma_start3A_63 : memref<1x1024xf32, #tpu.memory_space<vmem_shared>> -> memref<1024xf32, #tpu.memory_space<vmem_shared>>
        tpu.enqueue_dma source(%dma_start3A_64 : memref<1024xf32, #tpu.memory_space<vmem_shared>>) target(%arg7 : memref<1024xf32, #tpu.memory_space<vmem>>) target_semaphore(%run_scoped3A : memref<!tpu.dma_semaphore, #tpu.memory_space<semaphore_mem>>)
        %dma_wait3A_65 = arith.constant 0 : i32
        %dma_wait3A_66 = tpu.memref_slice %arg8[%sub3A_51, %dma_wait3A_65] : memref<16x1024xf32, #tpu.memory_space<vmem_shared>> -> memref<1x1024xf32, #tpu.memory_space<vmem_shared>>
        %dma_wait3A_67 = tpu.memref_squeeze %dma_wait3A_66 : memref<1x1024xf32, #tpu.memory_space<vmem_shared>> -> memref<1024xf32, #tpu.memory_space<vmem_shared>>
        %dma_wait3A_68 = arith.constant 0 : i32
        %dma_wait3A_69 = tpu.memref_slice %arg8[%sub3A_51, %dma_wait3A_68] : memref<16x1024xf32, #tpu.memory_space<vmem_shared>> -> memref<1x1024xf32, #tpu.memory_space<vmem_shared>>
        %dma_wait3A_70 = tpu.memref_squeeze %dma_wait3A_69 : memref<1x1024xf32, #tpu.memory_space<vmem_shared>> -> memref<1024xf32, #tpu.memory_space<vmem_shared>>
        tpu.wait_dma2 semaphore(%run_scoped3A : memref<!tpu.dma_semaphore, #tpu.memory_space<semaphore_mem>>) src(%dma_wait3A_70 : memref<1024xf32, #tpu.memory_space<vmem_shared>>) dst(%arg7 : memref<1024xf32, #tpu.memory_space<vmem>>)
        tpu.yield
      }) : () -> ()
      %scan3A_52 = arith.constant 0 : i32
      %scan3A_53 = arith.constant 0 : i32
      %scan3A_54 = arith.constant 64 : i32
      %scan3A_55 = arith.addi %scan3A_53, %scan3A_54 : i32
      %scan3A_56 = arith.constant 1 : i32
      %scan3A_57 = scf.for %scan3A_59 = %scan3A_53 to %scan3A_55 step %scan3A_56 iter_args(%scan3A_60 = %scan3A_52) -> (i32)  : i32 {
        %mul3A_61 = arith.constant 16 : i32
        %mul3A_62 = arith.muli %scan3A_59, %mul3A_61 : i32
        %get3A = arith.index_cast %mul3A_62 : i32 to index
        %get3A_63 = tpu.vector_load %arg5[%get3A] {strides = array<i32>} : memref<1024xf32, #tpu.memory_space<vmem>>, vector<16xf32>,
        %get3A_64 = arith.index_cast %mul3A_62 : i32 to index
        %get3A_65 = tpu.vector_load %arg4[%get3A_64] {strides = array<i32>} : memref<1024xi32, #tpu.memory_space<vmem>>, vector<16xi32>,
        %gather3A = tpu.vector_load_idx %arg7[%get3A_65] : memref<1024xf32, #tpu.memory_space<vmem>>[vector<16xi32>], vector<16xf32>,
        %add3A_66 = arith.addf %get3A_63, %gather3A : vector<16xf32>
        %swap3A = arith.index_cast %mul3A_62 : i32 to index
        %swap3A_67 = tpu.vector_load %arg5[%swap3A] {strides = array<i32>} : memref<1024xf32, #tpu.memory_space<vmem>>, vector<16xf32>,
        tpu.vector_store %arg5[%swap3A], %add3A_66 {strides = array<i32>} : memref<1024xf32, #tpu.memory_space<vmem>>, vector<16xf32>,
        %scan3A_68 = arith.constant 0 : i32
        scf.yield %scan3A_68 : i32
      }
      %scan3A_58 = arith.constant 64 : i32
    } else {
    }
    "tpu.region"() ({
      %run_scoped3A = tpu.sem_alloc : memref<!tpu.dma_semaphore, #tpu.memory_space<semaphore_mem>>
      %dma_start3A_50 = tpu.memref_slice %arg3[%add3A_32] : memref<16384xf32, #tpu.memory_space<hbm>> -> memref<1024xf32, #tpu.memory_space<hbm>>
      %dma_start3A_51 = tpu.memref_slice %arg3[%add3A_32] : memref<16384xf32, #tpu.memory_space<hbm>> -> memref<1024xf32, #tpu.memory_space<hbm>>
      tpu.enqueue_dma source(%arg5 : memref<1024xf32, #tpu.memory_space<vmem>>) target(%dma_start3A_51 : memref<1024xf32, #tpu.memory_space<hbm>>) target_semaphore(%run_scoped3A : memref<!tpu.dma_semaphore, #tpu.memory_space<semaphore_mem>>)
      %dma_wait3A_52 = tpu.memref_slice %arg3[%add3A_32] : memref<16384xf32, #tpu.memory_space<hbm>> -> memref<1024xf32, #tpu.memory_space<hbm>>
      %dma_wait3A_53 = tpu.memref_slice %arg3[%add3A_32] : memref<16384xf32, #tpu.memory_space<hbm>> -> memref<1024xf32, #tpu.memory_space<hbm>>
      tpu.wait_dma2 semaphore(%run_scoped3A : memref<!tpu.dma_semaphore, #tpu.memory_space<semaphore_mem>>) src(%arg5 : memref<1024xf32, #tpu.memory_space<vmem>>) dst(%dma_wait3A_53 : memref<1024xf32, #tpu.memory_space<hbm>>)
      tpu.yield
    }) : () -> ()
    return
  }
}

</mosaic_0001>

<sc_bundles>
// kernel: _counts.3.cloned.1.call-start
scs
__scs_entry_jumppad:
0x0: {  	(pc) =	sbr.rel $0x88, $3  }
0x1: {  	(tag) =	ssettag $0x0;
	lr =	simm.s32 $0x1  }
0x2: {  	[smem:$0x3FA0] =	sst lr;
	_ =	strace $0xD0000000  }
0x3: {  	_ = 	snop  }
0x4: {  	_ = 	snop  }
0x5: {  	_ = 	snop  }
0x6: {  	_ = 	snop  }
0x7: {  	_ = 	snop  }
__scs_overlays_trampoline_lowered:
0x8: {  	[smem:$0x3FAF] =	sst s0  }
0x9: {  	[smem:$0x3FB0] =	sst s1  }
0xa: {  	[smem:$0x3FB1] =	sst s2  }
0xb: {  	[smem:$0x3FB2] =	sst s3  }
0xc: {  	[smem:$0x3FB3] =	sst s4  }
0xd: {  	[smem:$0x3FB4] =	sst s5  }
0xe: {  	[smem:$0x3FB5] =	sst s6  }
0xf: {  	[smem:$0x3FB6] =	sst s7  }
0x10: {  	[smem:$0x3FB7] =	sst s8  }
0x11: {  	[smem:$0x3FB8] =	sst s9;
	s0 =	simm.s32 @!p0 $0x0  }
0x12: {  	s1 =	sld [smem:$0x3F9E];
	s0 =	simm.s32 @p0 $0x1  }
0x13: {  	[smem:$0x3FB9] =	sst s0;
	s0 =	simm.s32 @!p1 $0x0  }
0x14: {  	s2 =	sld [smem:$0x3F9D];
	s0 =	simm.s32 @p1 $0x1  }
0x15: {  	[smem:$0x3FBA] =	sst s0;
	s0 =	simm.s32 @!p2 $0x0  }
0x16: {  	s3 =	sld [smem:$0x3FDB];
	s0 =	simm.s32 @p2 $0x1  }
0x17: {  	s4 =	simm.s32 $0x1BF5;
	[smem:$0x3FBC] =	sst s0  }
0x18: {  	s0 =	sld [smem:$0x3F9F];
	_ =	swait.ge [sflag:s4], $0x0  }
0x19: {  	s7 =	sld [smem:$0x3FA0]  }
0x1a: {  	s8 =	sadd.s32 $0xFFFFE003, lr  }
0x1b: {  	s9 =	sadd.s32 $0xFFFFFEF7, lr;
	s5 =	simm.s32 $0xFFFFFFFF;
	p2 =	slt.u32 s8, $0xFFFFF086  }
0x1c: {  	p1 =	slt.u32 s9, $0xF7A;
	s5 =	simm.s32 @!p2 $0x0  }
0x1d: {  	s5 =	simm.s32 @p1 $0x1;
	p0 =	seq.s32 s7, s2  }
0x1e: {  	s7 =	smul.u32 @!p0 $0xF7A, s2;
	p2 =	seq.s32 @!p0 s5, $0x0  }
0x1f: {  	s9 =	smul.u32 $0xF7A, s1;
	s8 =	simm.s32 @!p0 $0x1BF5;
	p2 =	por !p2, p0  }
0x20: {  	[sflag:s8] =	ssyncset.s32 @!p0 $0xFFFFF086;
	s6 =	sadd.s32 @!p0 s3, s7;
	s7 =	simm.s32 @!p0 $0x108  }
0x21: {  	s3 =	sadd.s32 s3, s9;
	s6 =	sadd.s32 @!p0 $0x88, s6;
	s7 =	simm.s32 @p2 $0x1082  }
0x22: {  	[simem:s7], [sflag:s8] =	dma.local @!p0 [hbm:s6], $0xF7A  }
0x23: {  	s9 =	sor.u32 $0xD0000000, s2;
	s6 =	simm.s32 $0x108;
	_ =	swait.ge @!p0 [sflag:s8], $0x0  }
0x24: {  	s3 =	sadd.s32 $0x88, s3;
	s6 =	simm.s32 @!p1 $0x1082;
	[sflag:s4] =	ssyncset.s32 $0xFFFFF086  }
0x25: {  	[simem:s6], [sflag:s4] =	dma.local [hbm:s3], $0xF7A  }
0x26: {  	[smem:$0x3FA0] =	sst s1;
	(tag) =	ssettag s2;
	_ =	strace s9  }
0x27: {  	s1 =	sld [smem:$0x3FB0]  }
0x28: {  	s2 =	sld [smem:$0x3FB1]  }
0x29: {  	s4 =	sld [smem:$0x3FB3]  }
0x2a: {  	p0 =	seq.s32 s5, $0x0;
	s5 =	sld [smem:$0x3FB4]  }
0x2b: {  	s6 =	sld [smem:$0x3FB5]  }
0x2c: {  	s7 =	sld [smem:$0x3FB6]  }
0x2d: {  	s3 =	simm.s32 $0x108;
	s8 =	sld [smem:$0x3FB7]  }
0x2e: {  	s3 =	simm.s32 @!p0 $0x1082;
	s9 =	sld [smem:$0x3FB8]  }
0x2f: {  	lr =	sadd.s32 s0, s3;
	s0 =	sld [smem:$0x3FAF]  }
0x30: {  	s3 =	sld [smem:$0x3FB2]  }
0x31: {  	[smem:$0x3FBB] =	sst s10  }
0x32: {  	s10 =	sld [smem:$0x3FB9];
	_ =	sdelay $0x3  }
0x33: {  	p0 =	seq.s32 s10, $0x1;
	s10 =	sld [smem:$0x3FBB];
	_ =	sdelay $0x3  }
0x34: {  	[smem:$0x3FBB] =	sst s10  }
0x35: {  	s10 =	sld [smem:$0x3FBA];
	_ =	sdelay $0x3  }
0x36: {  	p1 =	seq.s32 s10, $0x1;
	s10 =	sld [smem:$0x3FBB];
	_ =	sdelay $0x3  }
0x37: {  	[smem:$0x3FBB] =	sst s10  }
0x38: {  	s10 =	sld [smem:$0x3FBC]  }
0x39: {  	_ = 	snop;
	(pc) =	sbr.ind lr, $3  }
0x3a: {  	_ = 	snop  }
0x3b: {  	_ = 	snop  }
0x3c: {  	p2 =	seq.s32 s10, $0x1;
	s10 =	sld [smem:$0x3FBB]  }
0x3d: {  	_ =	shalt  }
0x3e: {  	_ =	shalt  }
0x3f: {  	_ =	shalt  }
0x40: {  	_ =	shalt  }
0x41: {  	_ =	shalt  }
0x42: {  	_ =	shalt  }
0x43: {  	_ =	shalt  }
0x44: {  	_ =	shalt  }
0x45: {  	_ =	shalt  }
0x46: {  	_ =	shalt  }
0x47: {  	_ =	shalt  }
0x48: {  	_ =	shalt  }
0x49: {  	_ =	shalt  }
0x4a: {  	_ =	shalt  }
0x4b: {  	_ =	shalt  }
0x4c: {  	_ =	shalt  }
0x4d: {  	_ =	shalt  }
0x4e: {  	_ =	shalt  }
0x4f: {  	_ =	shalt  }
0x50: {  	_ =	shalt  }
0x51: {  	_ =	shalt  }
0x52: {  	_ =	shalt  }
0x53: {  	_ =	shalt  }
0x54: {  	_ =	shalt  }
0x55: {  	_ =	shalt  }
0x56: {  	_ =	shalt  }
0x57: {  	_ =	shalt  }
0x58: {  	_ =	shalt  }
0x59: {  	_ =	shalt  }
0x5a: {  	_ =	shalt  }
0x5b: {  	_ =	shalt  }
0x5c: {  	_ =	shalt  }
0x5d: {  	_ =	shalt  }
0x5e: {  	_ =	shalt  }
0x5f: {  	_ =	shalt  }
0x60: {  	_ =	shalt  }
0x61: {  	_ =	shalt  }
0x62: {  	_ =	shalt  }
0x63: {  	_ =	shalt  }
0x64: {  	_ =	shalt  }
0x65: {  	_ =	shalt  }
0x66: {  	_ =	shalt  }
0x67: {  	_ =	shalt  }
0x68: {  	_ =	shalt  }
0x69: {  	_ =	shalt  }
0x6a: {  	_ =	shalt  }
0x6b: {  	_ =	shalt  }
0x6c: {  	_ =	shalt  }
0x6d: {  	_ =	shalt  }
0x6e: {  	_ =	shalt  }
0x6f: {  	_ =	shalt  }
0x70: {  	_ =	shalt  }
0x71: {  	_ =	shalt  }
0x72: {  	_ =	shalt  }
0x73: {  	_ =	shalt  }
0x74: {  	_ =	shalt  }
0x75: {  	_ =	shalt  }
0x76: {  	_ =	shalt  }
0x77: {  	_ =	shalt  }
0x78: {  	_ =	shalt  }
0x79: {  	_ =	shalt  }
0x7a: {  	_ =	shalt  }
0x7b: {  	_ =	shalt  }
0x7c: {  	_ =	shalt  }
0x7d: {  	_ =	shalt  }
0x7e: {  	_ =	shalt  }
0x7f: {  	_ =	shalt  }
0x80: {  	_ =	shalt  }
0x81: {  	_ =	shalt  }
0x82: {  	_ =	shalt  }
0x83: {  	_ =	shalt  }
0x84: {  	_ =	shalt  }
0x85: {  	_ =	shalt  }
0x86: {  	_ =	shalt  }
0x87: {  	_ =	shalt  }
.Lfunc_end0:
.L_simem_size_0:
called_computation_lowered:
.L_overlay_start_0:
0x88: {  	s0 =	sld [smem:$0x3FD9]  }
0x89: {  	s1 =	sld [smem:$0x3FFE];
	_ =	sdelay $0x3  }
0x8a: {  	s0 =	sadd.s32 s1, s0  }
0x8b: {  	[smem:$0x3FC7] =	sst s0  }
0x8c: {  	_ = 	snop  }
0x8d: {  	s0 =	sld [smem:$0x3FD0];
	(tm) =	ssettm $0x1  }
0x8e: {  	s16 =	sld [smem:$0x3FFB];
	_ =	sdelay $0x3  }
0x8f: {  	_ =	strace s16  }
0x90: {  	s1 =	sld [smem:$0x3FFC];
	_ =	sdelay $0x3  }
0x91: {  	_ =	strace s1  }
0x92: {  	s1 =	sld [smem:$0x3FFD];
	_ =	sdelay $0x3  }
0x93: {  	_ =	strace s1  }
0x94: {  	_ =	strace $0x8FFFFFFF  }
0x95: {  	s17 =	sld [smem:$0x3FDB];
	_ =	sdelay $0x1  }
0x96: {  	s2 =	simm.s32 $_scs_section_size  }
0x97: {  	s3 =	simm.s32 $_size__tile_overlayer_lowered;
	s4 =	simm.s32 $_tile_overlayer_lowered  }
0x98: {  	s20 =	simm.s32 $0x1BFF;
	s19 =	sshll.u32 s4, $0x1;
	s1 =	sadd.s32 s2, s17  }
0x99: {  	s5 =	simm.s32 $0x0;
	s18 =	sshll.u32 s3, $0x1;
	s3 =	sadd.s32 s19, s1  }
0x9a: {  	[timem:s5], [sflag:s20] =	dma.local [hbm:s3], s18  }
0x9b: {  	_ =	swait.ge [sflag:s20], s18  }
0x9c: {  	s2 =	ssub.s32 $0x0, s18;
	[sflag:s20] =	ssyncset.done $0x0  }
0x9d: {  	[sflag:s20] =	ssyncadd.s32 s2;
	_ =	sdelay $0x1  }
0x9e: {  	s21 =	simm.s32 $0x1B8B  }
0x9f: {  	_ =	swait.ge [sflag:s21], $0x1  }
0xa0: {  	[sflag:s21] =	ssyncset.done $0x0  }
0xa1: {  	s23 =	simm.s32 $0x1B8E;
	s22 =	sld [smem:$0x3FFE];
	[sflag:s21] =	ssyncadd.s32 $0xFFFFFFFF  }
0xa2: {  	s24 =	simm.s32 $execute0_lowered;
	[smem:$0x3FD2] =	sst s23  }
0xa3: {  	s3 =	sshll.u32 s24, $0x1;
	_ =	strace $0x80000046;
	[dreg:$0x1] =	wrdreg $0xFFFFFFFF  }
0xa4: {  	s25 =	simm.s32 $_size_execute0_lowered;
	s1 =	sadd.s32 s1, s3;
	[dreg:$0x0] =	wrdreg $0x0  }
0xa5: {  	s3 =	sshll.u32 s25, $0x1;
	[dreg:$0x2] =	wrdreg s1  }
0xa6: {  	[dreg:$0x3] =	wrdreg s3  }
0xa7: {  	[dreg:$0x4] =	wrdreg $0xC0  }
0xa8: {  	_ =	task [dreg:s5], $0x5FFFF  }
0xa9: {  	[dreg:$0x1] =	wrdreg $0xFFFFFFFF  }
0xaa: {  	[dreg:$0x0] =	wrdreg $0x60  }
0xab: {  	[dreg:$0x2] =	wrdreg s22  }
0xac: {  	[dreg:$0x3] =	wrdreg s0  }
0xad: {  	[dreg:$0x4] =	wrdreg $0x10000  }
0xae: {  	[dreg:$0x5] =	wrdreg $0x9  }
0xaf: {  	_ =	task.clear_ibuf [dreg:s5], $0x6FFFF;
	_ =	strace $0x90000046  }
0xb0: {  	s26 =	simm.s32 $0x9;
	_ =	strace $0x80000048  }
0xb1: {  	_ =	swait.ge [sflag:s26], $0x1  }
0xb2: {  	[sflag:s26] =	ssyncadd.s32 $0xFFFFFFFF  }
0xb3: {  	_ =	strace $0x90000048  }
0xb4: {  	_ =	sfence  }
0xb5: {  	s28 =	sld [smem:$0x0];
	_ =	sdelay $0x1  }
0xb6: {  	s29 =	srdreg.scid  }
0xb7: {  	s30 =	sshll.u32 s29, $0xD;
	s31 =	sshrl.u32 s29, $0x2  }
0xb8: {  	s2 =	sand.u32 $0x4000, s30;
	s1 =	sand.u32 $0x1, s29;
	s0 =	sadd.s32 s31, s28  }
0xb9: {  	s1 =	sor.u32 s2, s1;
	s0 =	sshll.u32 s0, $0x11  }
0xba: {  	s0 =	sor.u32 s0, s1  }
0xbb: {  	s0 =	sadd.s32 $0x8F2B, s0  }
0xbc: {  	[sflag:s0] =	ssyncadd.remote.s32 $0x1  }
0xbd: {  	_ =	sfence.sel $0xFFFF  }
0xbe: {  	[dreg:$0x0] =	wrdreg $0xFFFFFFFF;
	(pc) =	sbr.abs _section_cstart, $3  }
0xbf: {  	[dreg:$0x1] =	wrdreg $0xFFFFFFFF  }
0xc0: {  	_ =	task.clear_ibuf [dreg:s5], $0x2FFFF;
	_ =	strace $0x9FFFFFFF  }
0xc1: {  	(tm) =	ssettm $0x7FFFFFFF  }
tec
execute0_lowered:
.L_overlay_start_1:
0x0: {  	(tag) =	ssettag $0x1  }
0x1: {  	s5 =	rddreg [dreg:$0x0]  }
0x2: {  	s2 =	rddreg [dreg:$0x1];
	s1 =	stileid.u32  }
0x3: {  	s4 =	rddreg [dreg:$0x2];
	s6 =	simm.s32 $0x0;
	s3 =	sshll.u32 s1, $0x7  }
0x4: {  	[smem:$0x7FF] =	sst s6;
	s5 =	sadd.s32 s3, s5  }
0x5: {  	s0 =	rddreg [dreg:$0x3];
	_ =	strace $0x80000047;
	s5 =	sadd.s32 $0x400, s5  }
0x6: {  	[tilespmem:s6], [sflag:$0x1] =	stream.linear.gather [hbm4b:s5+s6], $0x400, $0x38;
	[tilespmem:$0x1400] =	vst v63  }
0x7: {  	v0 =	vimm.f32 $0.0e+00;
	s5 =	simm.s32 $0x40;
	s6 =	simm.s32 $0x0  }
.LBB2_1:
0x8: {  	p0 =	sne.s32 s5, $0xFC0;
	[tilespmem:s6+$0x800] =	vst v0;
	s6 =	smov.u32 s5;
	s5 =	sadd.s32 $0x40, s5  }
.Ltmp0:
0x9: {  	(pc) =	sbr.rel @p0 .LBB2_1-.Ltmp0, $2  }
0xa: {  	_ =	sdelay $0x2  }
0xb: {  	s6 =	sshra.s32 s6, $0x2  }
0xc: {  	[tilespmem:s6+$0x800] =	vst v0;
	s5 =	simm.s32 $0x1  }
0xd: {  	_ =	swait.ge [sflag:s5], $0x400  }
0xe: {  	s6 =	simm.s32 $0x0;
	[sflag:s5] =	ssyncset.done $0x0  }
0xf: {  	s7 =	simm.s32 $0x40;
	[sflag:s5] =	ssyncadd.s32 $0xFFFFFC00;
	s5 =	simm.s32 $0x800  }
.LBB2_3:
0x10: {  	p0 =	sne.s32 s7, $0xFC0;
	v0 =	vld [tilespmem:s6+$0x0];
	_ =	sdelay $0x4  }
0x11: {  	(xrf1) =	vunique.msk.u32 $0xffff, v0;
	_ =	sdelay $0x2  }
0x12: {  	v1 =	vld.idx.msk [tilespmem:v0+s5+$0x0], $0xffff;
	_ =	sdelay $0xa  }
0x13: {  	_, v2, vm0 =	vpop (xrf1)  }
0x14: {  	v2 =	vcvt.s32.f32 v2  }
.Ltmp1:
0x15: {  	(pc) =	sbr.rel @p0 .LBB2_3-.Ltmp1, $3  }
0x16: {  	v1 =	vadd.f32 v2, v1;
	_ =	sdelay $0x1  }
0x17: {  	[tilespmem:s6+$0x400] =	vst v1  }
0x18: {  	s6 =	sshra.s32 s7, $0x2;
	s7 =	sadd.s32 $0x40, s7;
	[tilespmem:v0+s5+$0x0] =	vst.idx.msk vm0, v1  }
0x19: {  	v0 =	vld [tilespmem:s6+$0x0];
	_ =	sdelay $0x4  }
0x1a: {  	(xrf1) =	vunique.msk.u32 $0xffff, v0;
	_ =	sdelay $0xb  }
0x1b: {  	v1 =	vld.idx.msk [tilespmem:v0+s5+$0x0], $0xffff;
	_ =	sdelay $0x1  }
0x1c: {  	_, v2, vm0 =	vpop (xrf1)  }
0x1d: {  	v2 =	vcvt.s32.f32 v2;
	_ =	sdelay $0x1  }
0x1e: {  	v1 =	vadd.f32 v2, v1;
	_ =	sdelay $0x1  }
0x1f: {  	s29 =	sshll.u32 s1, $0xA;
	s30 =	simm.s32 $0x800;
	s31 =	sand.u32 $0x1, s1;
	[tilespmem:s6+$0x400] =	vst v1  }
0x20: {  	p0 =	seq.s32 s31, $0x0;
	[tilespmem:v0+s5+$0x0] =	vst.idx.msk vm0, v1;
	s5 =	sadd.s32 s29, s4;
	s4 =	simm.s32 $0x2  }
0x21: {  	[spmem:s5] =	stream.linear.scatter [tilespmem:s30], [sflag:$0x2], $0x400, $0x38;
	[tilespmem:$0x1400] =	vst v63  }
.Ltmp2:
0x22: {  	_ =	swait.ge [sflag:s4], $0x400;
	(pc) =	sbr.rel @p0 .LBB2_8-.Ltmp2, $4  }
0x23: {  	[sflag:s4] =	ssyncset.done $0x0  }
0x24: {  	[sflag:s4] =	ssyncadd.s32 $0xFFFFFC00  }
0x25: {  	[bflag:$0x0] =	sbarrier.arrive $0xFFFF  }
0x26: {  	s2 =	sadd.s32 s2, s3  }
0x27: {  	s5 =	sadd.s32 $0xFFFFFC00, s5;
	s3 =	simm.s32 $0xC00  }
0x28: {  	[tilespmem:s3], [sflag:$0x2] =	stream.linear.gather [spmem:s5], $0x400, $0x38;
	[tilespmem:$0x1400] =	vst v63  }
0x29: {  	_ =	swait.ge [sflag:s4], $0x400  }
0x2a: {  	[sflag:s4] =	ssyncset.done $0x0  }
0x2b: {  	s6 =	simm.s32 $0x0;
	[sflag:s4] =	ssyncadd.s32 $0xFFFFFC00  }
0x2c: {  	v1 =	vld [tilespmem:s6+$0x0];
	_ =	sdelay $0x5  }
0x2d: {  	s5 =	simm.s32 $0x10  }
0x2e: {  	v0 =	vld [tilespmem:s5+$0x0]  }
0x2f: {  	s7 =	simm.s32 $0x80;
	v1 =	vld.idx.msk [tilespmem:v1+s3+$0x0], $0xffff  }
.LBB2_6:
0x30: {  	p0 =	sne.s32 s7, $0xFC0;
	v2 =	vld [tilespmem:s6+$0x400];
	_ =	sdelay $0x2  }
0x31: {  	v3 =	vmov v0  }
.Ltmp3:
0x32: {  	(pc) =	sbr.rel @p0 .LBB2_6-.Ltmp3, $4  }
0x33: {  	v1 =	vadd.f32 v1, v2  }
0x34: {  	s8 =	sshra.s32 s7, $0x2  }
0x35: {  	v0 =	vld [tilespmem:s8+$0x0];
	[tilespmem:s6+$0x400] =	vst v1;
	s6 =	smov.u32 s5;
	s5 =	smov.u32 s8  }
0x36: {  	s7 =	sadd.s32 $0x40, s7;
	v1 =	vld.idx.msk [tilespmem:v3+s3+$0x0], $0xffff  }
0x37: {  	v2 =	vld [tilespmem:s6+$0x400];
	_ =	sdelay $0x4  }
0x38: {  	v1 =	vadd.f32 v1, v2;
	_ =	sdelay $0x1  }
0x39: {  	[tilespmem:s6+$0x400] =	vst v1  }
0x3a: {  	v0 =	vld.idx.msk [tilespmem:v0+s3+$0x0], $0xffff  }
0x3b: {  	v1 =	vld [tilespmem:s5+$0x400];
	_ =	sdelay $0x4  }
0x3c: {  	v0 =	vadd.f32 v0, v1;
	_ =	sdelay $0x1  }
0x3d: {  	[tilespmem:s5+$0x400] =	vst v0  }
.LBB2_8:
0x3e: {  	s3 =	simm.s32 $0x0;
	s5 =	simm.s32 $0x400  }
0x3f: {  	[hbm4b:s2+s3] =	stream.linear.scatter [tilespmem:s5], [sflag:$0x2], $0x400, $0x38;
	[tilespmem:$0x1400] =	vst v63  }
0x40: {  	_ =	swait.ge [sflag:s4], $0x400  }
0x41: {  	[sflag:s4] =	ssyncset.done $0x0  }
0x42: {  	[sflag:s4] =	ssyncadd.s32 $0xFFFFFC00  }
0x43: {  	_ =	sfence.sel $0x180000  }
0x44: {  	[bflag:$0x0] =	sbarrier.arrive $0xFFFF  }
0x45: {  	p0 =	sne.s32 s1, $0x0;
	_ =	strace $0x90000047  }
0x46: {  	s0 =	sadd.s32 @!p0 $0x100000, s0;
	[bflag:$0x2] =	sbarrier.arrive $0xFFFF  }
0x47: {  	[sflag:s0] =	ssyncadd.tile.s32 @!p0 $0x1;
	_ =	shalt  }
.Lfunc_end2:
_tile_overlayer_lowered:
.L_overlay_start_2:
0x48: {  	(tag) =	ssettag $0x2  }
0x49: {  	s0 =	rddreg [dreg:$0x0];
	s2 =	stileid.u32  }
0x4a: {  	s1 =	rddreg [dreg:$0x1];
	p0 =	sne.s32 s2, $0x0  }
0x4b: {  	s3 =	rddreg [dreg:$0x2];
	[bflag:$0x3] =	sbarrier.arrive $0xFFFF;
	s2 =	simm.s32 @!p0 $0x1C02  }
0x4c: {  	[timem:s3], [sflag:s2] =	dma.local @!p0 [hbm:s0], s1  }
0x4d: {  	s0 =	simm.s32 @!p0 $0x2  }
0x4e: {  	_ =	swait.ge @!p0 [sflag:s0], s1  }
0x4f: {  	s1 =	ssub.s32 @!p0 $0x0, s1;
	[sflag:s0] =	ssyncset.done @!p0 $0x0  }
0x50: {  	[sflag:s0] =	ssyncadd.s32 @!p0 s1  }
0x51: {  	[bflag:$0x3] =	sbarrier.arrive $0xFFFF  }
0x52: {  	_ =	shalt  }

</sc_bundles>
